<compile_context>
chip_gen: v7x
topology: tpu7x:2x2x1
jax: 0.10.2.dev20260603
libtpu: 0.0.44.dev20260713+nightly
codegen_flags: <defaults>
</compile_context>

<pallas_src>
import jax
import jax.numpy as jnp
from jax import lax
from jax.experimental import pallas as pl
from jax.experimental.pallas import tpu as pltpu
from jax.experimental.pallas import tpu_sc as plsc

GAMMA = 0.1
EPS = 1e-8
N = 100000
D = 256
TOPK = 5

BLOCK = 12544
NBLK = 8
NPAD = NBLK * BLOCK
ROWS = NPAD // 128

NW = 32
BPW = NPAD // NW
LANES = 16
CHUNKS = BPW // LANES

TROWS = 8
TCOLS = N // TROWS



def _sim_body(nf_ref, inj_ref, out_ref):
    x = nf_ref[...]
    inj = inj_ref[...]
    dims = (((1,), (1,)), ((), ()))
    num = lax.dot_general(inj, x, dims,
                          preferred_element_type=jnp.float32)
    sq = lax.dot_general(jnp.ones((1, D), jnp.float32), x * x, dims,
                         preferred_element_type=jnp.float32)
    inj_norm = jnp.maximum(jnp.sqrt(jnp.sum(inj * inj)), EPS)
    sim = (-GAMMA) * (num / (jnp.maximum(jnp.sqrt(sq), EPS) * inj_norm))
    out_ref[...] = sim.reshape(1, 1, BLOCK)


def _node_sim(node_features, inj2d, interpret=False):
    return pl.pallas_call(
        _sim_body,
        grid=(NBLK,),
        in_specs=[
            pl.BlockSpec((BLOCK, D), lambda i: (i, 0)),
            pl.BlockSpec((1, D), lambda i: (0, 0)),
        ],
        out_specs=pl.BlockSpec((1, 1, BLOCK), lambda i: (i, 0, 0)),
        out_shape=jax.ShapeDtypeStruct((NBLK, 1, BLOCK), jnp.float32),
        interpret=interpret,
    )(node_features, inj2d)



def _edge_body(sim_hbm, idx_hbm, infl_hbm, out_hbm, idx_v, val_v, out_v, sem):
    wid = lax.axis_index("s") * 2 + lax.axis_index("c")
    base = pl.multiple_of(jnp.minimum(wid * BPW, N - BPW), 8)
    pltpu.sync_copy(idx_hbm.at[pl.ds(base, BPW)], idx_v)
    gather = pltpu.async_copy(sim_hbm.at[idx_v], val_v, sem)
    pltpu.sync_copy(infl_hbm.at[pl.ds(base, BPW)], out_v)
    gather.wait()

    def body(i, c):
        s = pl.ds(i * LANES, LANES)
        out_v[s] = out_v[s] + val_v[s]
        return c

    lax.fori_loop(0, CHUNKS, body, 0, unroll=4)
    pltpu.sync_copy(out_v, out_hbm.at[pl.ds(base, BPW)])


def _edge_scores(sim_flat, idx, infl):
    mesh = plsc.VectorSubcoreMesh(core_axis_name="c", subcore_axis_name="s")
    k = pl.kernel(
        _edge_body,
        out_type=jax.ShapeDtypeStruct((N,), jnp.float32),
        mesh=mesh,
        compiler_params=pltpu.CompilerParams(
            needs_layout_passes=False,
            skip_device_barrier=True,
            disable_bounds_checks=True,
            disable_semaphore_checks=True,
        ),
        scratch_types=[
            pltpu.VMEM((BPW,), jnp.int32),
            pltpu.VMEM((BPW,), jnp.float32),
            pltpu.VMEM((BPW,), jnp.float32),
            pltpu.SemaphoreType.DMA,
        ],
    )
    return k(sim_flat, idx, infl)



def _topk_body(score_ref, cand_ref, out_ref):
    s = score_ref[...]
    cand = cand_ref[...]
    r = lax.broadcasted_iota(jnp.int32, (TROWS, TCOLS), 0)
    c = lax.broadcasted_iota(jnp.int32, (TROWS, TCOLS), 1)
    flat = r * TCOLS + c
    big = jnp.int32(2**31 - 1)
    neg = jnp.float32(-jnp.inf)
    for i in range(TOPK):
        m = jnp.max(s)
        fi = jnp.min(jnp.where(s == m, flat, big))
        hit = flat == fi
        out_ref[i] = jnp.max(jnp.where(hit, cand, -1))
        s = jnp.where(hit, neg, s)


def _topk(scores2d, cand2d, interpret=False):
    return pl.pallas_call(
        _topk_body,
        in_specs=[
            pl.BlockSpec(memory_space=pltpu.VMEM),
            pl.BlockSpec(memory_space=pltpu.VMEM),
        ],
        out_specs=pl.BlockSpec(memory_space=pltpu.SMEM),
        out_shape=jax.ShapeDtypeStruct((TOPK,), jnp.int32),
        interpret=interpret,
    )(scores2d, cand2d)



def kernel(influence_scores, node_features, candidate_indices, injected_feat):
    idx = candidate_indices.astype(jnp.int32)
    sim = _node_sim(node_features, injected_feat.reshape(1, D)).reshape(NPAD)
    edge = _edge_scores(sim, idx, influence_scores)
    sel = _topk(edge.reshape(TROWS, TCOLS), idx.reshape(TROWS, TCOLS))
    return sel, edge

# --- scband reference (transcript-rebuilt; emitter-appended) ---
"""Pipeline reference for scband-edge-selector-87832081203320 (READ-ONLY COPY).

The authoritative reference and input builder live on the scoring server;
editing this copy changes nothing except your own understanding.
"""

import jax, jax.numpy as jnp
import numpy as np

GAMMA = 0.1
BUDGET = 5
EPS = 1e-8


def setup_inputs(seed: int = 0) -> dict:
    key = jax.random.key(seed)
    k1, k2, k3, k4 = jax.random.split(key, 4)
    influence_scores = jax.random.normal(k1, (100000,), dtype=jnp.float32)
    node_features = jax.random.normal(k2, (100000, 256), dtype=jnp.float32)
    candidate_indices = jax.random.randint(k3, (100000,), 0, 100000).astype(jnp.int64)
    injected_feat = jax.random.normal(k4, (256,), dtype=jnp.float32)
    return {
        'influence_scores': influence_scores,
        'node_features': node_features,
        'candidate_indices': candidate_indices,
        'injected_feat': injected_feat,
    }


def reference(influence_scores, node_features, candidate_indices, injected_feat):
    # gather candidate features (SparseCore gather)
    candidate_feat = jnp.take(node_features, candidate_indices, axis=0)
    # cosine similarity between injected_feat and each candidate (torch F.cosine_similarity, eps=1e-8)
    num = candidate_feat @ injected_feat
    cand_norm = jnp.maximum(jnp.sqrt(jnp.sum(candidate_feat * candidate_feat, axis=-1)), EPS)
    inj_norm = jnp.maximum(jnp.sqrt(jnp.sum(injected_feat * injected_feat)), EPS)
    sim_penalty = num / (cand_norm * inj_norm)
    edge_scores = influence_scores - GAMMA * sim_penalty
    top_k = min(BUDGET, candidate_indices.shape[0])
    _, selected_indices = jax.lax.top_k(edge_scores, top_k)
    selected_candidates = jnp.take(candidate_indices, selected_indices)
    return (selected_candidates, edge_scores)

if __name__ == "__main__":
    import jax
    _d = setup_inputs()
    print(jax.jit(kernel)(*tuple(_d.values())))

</pallas_src>

<mosaic_0001>
#map = affine_map<(d0, d1) -> (0)>
module attributes {stable_mosaic.version = 14 : i64} {
  func.func @_edge_body(%arg0: i32, %arg1: i32, %arg2: memref<100352xf32, #tpu.memory_space<hbm>>, %arg3: memref<100000xi32, #tpu.memory_space<hbm>>, %arg4: memref<100000xf32, #tpu.memory_space<hbm>>, %arg5: memref<100000xf32, #tpu.memory_space<hbm>>, %arg6: memref<3136xi32, #tpu.memory_space<vmem>>, %arg7: memref<3136xf32, #tpu.memory_space<vmem>>, %arg8: memref<3136xf32, #tpu.memory_space<vmem>>, %arg9: memref<!tpu.dma_semaphore, #tpu.memory_space<semaphore_mem>>) attributes {dimension_semantics = [#tpu.dimension_semantics<core_parallel>, #tpu.dimension_semantics<subcore_parallel>], iteration_bounds = array<i64: 2, 16>, scalar_prefetch = 0 : i64, scratch_operands = 4 : i64, tpu.core_type = #tpu.core_type<sc_vector_subcore>, window_params = [{transform_indices = #map}, {transform_indices = #map}, {transform_indices = #map}, {transform_indices = #map}]} {
    %mul3A = arith.constant 2 : i32
    %mul3A_0 = arith.muli %arg1, %mul3A : i32
    %add3A = arith.addi %mul3A_0, %arg0 : i32
    %mul3A_1 = arith.constant 3136 : i32
    %mul3A_2 = arith.muli %add3A, %mul3A_1 : i32
    %min3A = arith.constant 96864 : i32
    %min3A_3 = arith.minsi %mul3A_2, %min3A : i32
    %multiple_of3A = tpu.assume_multiple %min3A_3, 8 : i32
    "tpu.region"() ({
      %run_scoped3A = tpu.sem_alloc : memref<!tpu.dma_semaphore, #tpu.memory_space<semaphore_mem>>
      %dma_start3A_11 = tpu.memref_slice %arg3[%multiple_of3A] : memref<100000xi32, #tpu.memory_space<hbm>> -> memref<3136xi32, #tpu.memory_space<hbm>>
      %dma_start3A_12 = tpu.memref_slice %arg3[%multiple_of3A] : memref<100000xi32, #tpu.memory_space<hbm>> -> memref<3136xi32, #tpu.memory_space<hbm>>
      tpu.enqueue_dma source(%dma_start3A_12 : memref<3136xi32, #tpu.memory_space<hbm>>) target(%arg6 : memref<3136xi32, #tpu.memory_space<vmem>>) target_semaphore(%run_scoped3A : memref<!tpu.dma_semaphore, #tpu.memory_space<semaphore_mem>>)
      %dma_wait3A_13 = tpu.memref_slice %arg3[%multiple_of3A] : memref<100000xi32, #tpu.memory_space<hbm>> -> memref<3136xi32, #tpu.memory_space<hbm>>
      %dma_wait3A_14 = tpu.memref_slice %arg3[%multiple_of3A] : memref<100000xi32, #tpu.memory_space<hbm>> -> memref<3136xi32, #tpu.memory_space<hbm>>
      tpu.wait_dma2 semaphore(%run_scoped3A : memref<!tpu.dma_semaphore, #tpu.memory_space<semaphore_mem>>) src(%dma_wait3A_14 : memref<3136xi32, #tpu.memory_space<hbm>>) dst(%arg6 : memref<3136xi32, #tpu.memory_space<vmem>>)
      tpu.yield
    }) : () -> ()
    %dma_start3A = arith.constant 0 : i32
    %dma_start3A_4 = tpu.memref_slice %arg2[%dma_start3A] : memref<100352xf32, #tpu.memory_space<hbm>> -> memref<100352xf32, #tpu.memory_space<hbm>>
    tpu.enqueue_indirect_dma source(%dma_start3A_4 : memref<100352xf32, #tpu.memory_space<hbm>>) target(%arg7 : memref<3136xf32, #tpu.memory_space<vmem>>) offsets(%arg6 : memref<3136xi32, #tpu.memory_space<vmem>>) semaphore(%arg9 : memref<!tpu.dma_semaphore, #tpu.memory_space<semaphore_mem>>)
    "tpu.region"() ({
      %run_scoped3A = tpu.sem_alloc : memref<!tpu.dma_semaphore, #tpu.memory_space<semaphore_mem>>
      %dma_start3A_11 = tpu.memref_slice %arg4[%multiple_of3A] : memref<100000xf32, #tpu.memory_space<hbm>> -> memref<3136xf32, #tpu.memory_space<hbm>>
      %dma_start3A_12 = tpu.memref_slice %arg4[%multiple_of3A] : memref<100000xf32, #tpu.memory_space<hbm>> -> memref<3136xf32, #tpu.memory_space<hbm>>
      tpu.enqueue_dma source(%dma_start3A_12 : memref<3136xf32, #tpu.memory_space<hbm>>) target(%arg8 : memref<3136xf32, #tpu.memory_space<vmem>>) target_semaphore(%run_scoped3A : memref<!tpu.dma_semaphore, #tpu.memory_space<semaphore_mem>>)
      %dma_wait3A_13 = tpu.memref_slice %arg4[%multiple_of3A] : memref<100000xf32, #tpu.memory_space<hbm>> -> memref<3136xf32, #tpu.memory_space<hbm>>
      %dma_wait3A_14 = tpu.memref_slice %arg4[%multiple_of3A] : memref<100000xf32, #tpu.memory_space<hbm>> -> memref<3136xf32, #tpu.memory_space<hbm>>
      tpu.wait_dma2 semaphore(%run_scoped3A : memref<!tpu.dma_semaphore, #tpu.memory_space<semaphore_mem>>) src(%dma_wait3A_14 : memref<3136xf32, #tpu.memory_space<hbm>>) dst(%arg8 : memref<3136xf32, #tpu.memory_space<vmem>>)
      tpu.yield
    }) : () -> ()
    %dma_wait3A = arith.constant 0 : i32
    %dma_wait3A_5 = tpu.memref_slice %arg2[%dma_wait3A] : memref<100352xf32, #tpu.memory_space<hbm>> -> memref<100352xf32, #tpu.memory_space<hbm>>
    tpu.wait_indirect_dma semaphore(%arg9 : memref<!tpu.dma_semaphore, #tpu.memory_space<semaphore_mem>>) src(%dma_wait3A_5 : memref<100352xf32, #tpu.memory_space<hbm>>) dst(%arg7 : memref<3136xf32, #tpu.memory_space<vmem>>)
    %scan3A = arith.constant 0 : i32
    %scan3A_6 = arith.constant 0 : i32
    %scan3A_7 = arith.constant 196 : i32
    %scan3A_8 = arith.addi %scan3A_6, %scan3A_7 : i32
    %scan3A_9 = arith.constant 4 : i32
    scf.for %scan3A_11 = %scan3A_6 to %scan3A_8 step %scan3A_9  : i32 {
      %mul3A_12 = arith.constant 16 : i32
      %mul3A_13 = arith.muli %scan3A_11, %mul3A_12 : i32
      %get3A = arith.index_cast %mul3A_13 : i32 to index
      %get3A_14 = tpu.vector_load %arg8[%get3A] {strides = array<i32>} : memref<3136xf32, #tpu.memory_space<vmem>>, vector<16xf32>,
      %get3A_15 = arith.index_cast %mul3A_13 : i32 to index
      %get3A_16 = tpu.vector_load %arg7[%get3A_15] {strides = array<i32>} : memref<3136xf32, #tpu.memory_space<vmem>>, vector<16xf32>,
      %add3A_17 = arith.addf %get3A_14, %get3A_16 : vector<16xf32>
      %swap3A = arith.index_cast %mul3A_13 : i32 to index
      %swap3A_18 = tpu.vector_load %arg8[%swap3A] {strides = array<i32>} : memref<3136xf32, #tpu.memory_space<vmem>>, vector<16xf32>,
      tpu.vector_store %arg8[%swap3A], %add3A_17 {strides = array<i32>} : memref<3136xf32, #tpu.memory_space<vmem>>, vector<16xf32>,
      %scan3A_19 = arith.constant 1 : i32
      %scan3A_20 = arith.addi %scan3A_11, %scan3A_19 : i32
      %mul3A_21 = arith.constant 16 : i32
      %mul3A_22 = arith.muli %scan3A_20, %mul3A_21 : i32
      %get3A_23 = arith.index_cast %mul3A_22 : i32 to index
      %get3A_24 = tpu.vector_load %arg8[%get3A_23] {strides = array<i32>} : memref<3136xf32, #tpu.memory_space<vmem>>, vector<16xf32>,
      %get3A_25 = arith.index_cast %mul3A_22 : i32 to index
      %get3A_26 = tpu.vector_load %arg7[%get3A_25] {strides = array<i32>} : memref<3136xf32, #tpu.memory_space<vmem>>, vector<16xf32>,
      %add3A_27 = arith.addf %get3A_24, %get3A_26 : vector<16xf32>
      %swap3A_28 = arith.index_cast %mul3A_22 : i32 to index
      %swap3A_29 = tpu.vector_load %arg8[%swap3A_28] {strides = array<i32>} : memref<3136xf32, #tpu.memory_space<vmem>>, vector<16xf32>,
      tpu.vector_store %arg8[%swap3A_28], %add3A_27 {strides = array<i32>} : memref<3136xf32, #tpu.memory_space<vmem>>, vector<16xf32>,
      %scan3A_30 = arith.constant 2 : i32
      %scan3A_31 = arith.addi %scan3A_11, %scan3A_30 : i32
      %mul3A_32 = arith.constant 16 : i32
      %mul3A_33 = arith.muli %scan3A_31, %mul3A_32 : i32
      %get3A_34 = arith.index_cast %mul3A_33 : i32 to index
      %get3A_35 = tpu.vector_load %arg8[%get3A_34] {strides = array<i32>} : memref<3136xf32, #tpu.memory_space<vmem>>, vector<16xf32>,
      %get3A_36 = arith.index_cast %mul3A_33 : i32 to index
      %get3A_37 = tpu.vector_load %arg7[%get3A_36] {strides = array<i32>} : memref<3136xf32, #tpu.memory_space<vmem>>, vector<16xf32>,
      %add3A_38 = arith.addf %get3A_35, %get3A_37 : vector<16xf32>
      %swap3A_39 = arith.index_cast %mul3A_33 : i32 to index
      %swap3A_40 = tpu.vector_load %arg8[%swap3A_39] {strides = array<i32>} : memref<3136xf32, #tpu.memory_space<vmem>>, vector<16xf32>,
      tpu.vector_store %arg8[%swap3A_39], %add3A_38 {strides = array<i32>} : memref<3136xf32, #tpu.memory_space<vmem>>, vector<16xf32>,
      %scan3A_41 = arith.constant 3 : i32
      %scan3A_42 = arith.addi %scan3A_11, %scan3A_41 : i32
      %mul3A_43 = arith.constant 16 : i32
      %mul3A_44 = arith.muli %scan3A_42, %mul3A_43 : i32
      %get3A_45 = arith.index_cast %mul3A_44 : i32 to index
      %get3A_46 = tpu.vector_load %arg8[%get3A_45] {strides = array<i32>} : memref<3136xf32, #tpu.memory_space<vmem>>, vector<16xf32>,
      %get3A_47 = arith.index_cast %mul3A_44 : i32 to index
      %get3A_48 = tpu.vector_load %arg7[%get3A_47] {strides = array<i32>} : memref<3136xf32, #tpu.memory_space<vmem>>, vector<16xf32>,
      %add3A_49 = arith.addf %get3A_46, %get3A_48 : vector<16xf32>
      %swap3A_50 = arith.index_cast %mul3A_44 : i32 to index
      %swap3A_51 = tpu.vector_load %arg8[%swap3A_50] {strides = array<i32>} : memref<3136xf32, #tpu.memory_space<vmem>>, vector<16xf32>,
      tpu.vector_store %arg8[%swap3A_50], %add3A_49 {strides = array<i32>} : memref<3136xf32, #tpu.memory_space<vmem>>, vector<16xf32>,
    }
    %scan3A_10 = arith.constant 196 : i32
    "tpu.region"() ({
      %run_scoped3A = tpu.sem_alloc : memref<!tpu.dma_semaphore, #tpu.memory_space<semaphore_mem>>
      %dma_start3A_11 = tpu.memref_slice %arg5[%multiple_of3A] : memref<100000xf32, #tpu.memory_space<hbm>> -> memref<3136xf32, #tpu.memory_space<hbm>>
      %dma_start3A_12 = tpu.memref_slice %arg5[%multiple_of3A] : memref<100000xf32, #tpu.memory_space<hbm>> -> memref<3136xf32, #tpu.memory_space<hbm>>
      tpu.enqueue_dma source(%arg8 : memref<3136xf32, #tpu.memory_space<vmem>>) target(%dma_start3A_12 : memref<3136xf32, #tpu.memory_space<hbm>>) target_semaphore(%run_scoped3A : memref<!tpu.dma_semaphore, #tpu.memory_space<semaphore_mem>>)
      %dma_wait3A_13 = tpu.memref_slice %arg5[%multiple_of3A] : memref<100000xf32, #tpu.memory_space<hbm>> -> memref<3136xf32, #tpu.memory_space<hbm>>
      %dma_wait3A_14 = tpu.memref_slice %arg5[%multiple_of3A] : memref<100000xf32, #tpu.memory_space<hbm>> -> memref<3136xf32, #tpu.memory_space<hbm>>
      tpu.wait_dma2 semaphore(%run_scoped3A : memref<!tpu.dma_semaphore, #tpu.memory_space<semaphore_mem>>) src(%arg8 : memref<3136xf32, #tpu.memory_space<vmem>>) dst(%dma_wait3A_14 : memref<3136xf32, #tpu.memory_space<hbm>>)
      tpu.yield
    }) : () -> ()
    return
  }
}

module attributes {stable_mosaic.version = 14 : i64} {
  func.func @_sim_body(%arg0: i32, %arg1: memref<12544x256xf32, #tpu.memory_space<vmem>>, %arg2: memref<1x256xf32, #tpu.memory_space<vmem>>, %arg3: memref<1x1x12544xf32, #tpu.memory_space<vmem>>) attributes {dimension_semantics = [#tpu.dimension_semantics<arbitrary>], iteration_bounds = array<i64: 8>, scalar_prefetch = 0 : i64, scratch_operands = 0 : i64, tpu.core_type = #tpu.core_type<tc>, window_params = [{transform_indices = @transform_0, window_bounds = array<i64: 12544, 256>}, {pipeline_mode = #tpu.pipeline_mode<synchronous>, transform_indices = @transform_1, window_bounds = array<i64: 1, 256>}, {transform_indices = @transform_2, window_bounds = array<i64: 1, 1, 12544>}]} {
    %get3A = arith.constant 0 : index
    %get3A_0 = arith.constant 0 : index
    %get3A_1 = vector.load %arg1[%get3A, %get3A_0] : memref<12544x256xf32, #tpu.memory_space<vmem>>, vector<12544x256xf32>
    %get3A_2 = arith.constant 0 : index
    %get3A_3 = arith.constant 0 : index
    %get3A_4 = vector.load %arg2[%get3A_2, %get3A_3] : memref<1x256xf32, #tpu.memory_space<vmem>>, vector<1x256xf32>
    %dot_general3A = arith.constant dense<0.000000e+00> : vector<1x12544xf32>
    %dot_general3A_5 = tpu.matmul %get3A_4, %get3A_1, %dot_general3A {dimension_numbers = #tpu.dot_dimension_numbers<[1], [1], [0], [0], [0, 0, 1, 0], [], []>, transpose_lhs_hint = false} : vector<1x256xf32>, vector<12544x256xf32>, vector<1x12544xf32> -> vector<1x12544xf32>
    %broadcast_in_dim3A = arith.constant 1.000000e+00 : f32
    %broadcast_in_dim3A_6 = vector.broadcast %broadcast_in_dim3A : f32 to vector<1x256xf32>
    %mul3A = arith.mulf %get3A_1, %get3A_1 : vector<12544x256xf32>
    %dot_general3A_7 = arith.constant dense<0.000000e+00> : vector<1x12544xf32>
    %dot_general3A_8 = tpu.matmul %broadcast_in_dim3A_6, %mul3A, %dot_general3A_7 {dimension_numbers = #tpu.dot_dimension_numbers<[1], [1], [0], [0], [0, 0, 1, 0], [], []>, transpose_lhs_hint = false} : vector<1x256xf32>, vector<12544x256xf32>, vector<1x12544xf32> -> vector<1x12544xf32>
    %mul3A_9 = arith.mulf %get3A_4, %get3A_4 : vector<1x256xf32>
    %reduce_sum3A = vector.shape_cast %mul3A_9 : vector<1x256xf32> to vector<1x1x256xf32>
    %reduce_sum3A_10 = arith.constant dense<0.000000e+00> : vector<1xf32>
    %reduce_sum3A_11 = vector.multi_reduction <add>, %reduce_sum3A, %reduce_sum3A_10 [1, 2] : vector<1x1x256xf32> to vector<1xf32>
    %reduce_sum3A_12 = vector.shape_cast %reduce_sum3A_11 : vector<1xf32> to vector<1x1x1xf32>
    %reduce_sum3A_13 = vector.extract %reduce_sum3A_12[0, 0, 0] : f32 from vector<1x1x1xf32>
    %sqrt3A = math.sqrt %reduce_sum3A_13 : f32
    %max3A = arith.constant 9.99999993E-9 : f32
    %max3A_14 = arith.maximumf %sqrt3A, %max3A : f32
    %sqrt3A_15 = math.sqrt %dot_general3A_8 : vector<1x12544xf32>
    %max3A_16 = arith.constant 9.99999993E-9 : f32
    %max3A_17 = vector.broadcast %max3A_16 : f32 to vector<1x12544xf32>
    %max3A_18 = arith.maximumf %sqrt3A_15, %max3A_17 : vector<1x12544xf32>
    %mul3A_19 = vector.broadcast %max3A_14 : f32 to vector<1x12544xf32>
    %mul3A_20 = arith.mulf %max3A_18, %mul3A_19 : vector<1x12544xf32>
    %div3A = arith.divf %dot_general3A_5, %mul3A_20 : vector<1x12544xf32>
    %mul3A_21 = arith.constant -1.000000e-01 : f32
    %mul3A_22 = vector.broadcast %mul3A_21 : f32 to vector<1x12544xf32>
    %mul3A_23 = arith.mulf %mul3A_22, %div3A : vector<1x12544xf32>
    %reshape3A = vector.shape_cast %mul3A_23 : vector<1x12544xf32> to vector<1x1x12544xf32>
    %swap3A = arith.constant 0 : index
    %swap3A_24 = arith.constant 0 : index
    %swap3A_25 = arith.constant 0 : index
    %swap3A_26 = vector.load %arg3[%swap3A, %swap3A_24, %swap3A_25] : memref<1x1x12544xf32, #tpu.memory_space<vmem>>, vector<1x1x12544xf32>
    tpu.vector_store %arg3[%swap3A, %swap3A_24, %swap3A_25], %reshape3A {strides = array<i32>} : memref<1x1x12544xf32, #tpu.memory_space<vmem>>, vector<1x1x12544xf32>,
    return
  }
  func.func @transform_0(%arg0: i32) -> (i32, i32) {
    %c0_i32 = arith.constant 0 : i32
    %c0_i32_0 = arith.constant 0 : i32
    return %arg0, %c0_i32 : i32, i32
  }
  func.func @transform_1(%arg0: i32) -> (i32, i32) {
    %c0_i32 = arith.constant 0 : i32
    %c0_i32_0 = arith.constant 0 : i32
    %c0_i32_1 = arith.constant 0 : i32
    return %c0_i32, %c0_i32_0 : i32, i32
  }
  func.func @transform_2(%arg0: i32) -> (i32, i32, i32) {
    %c0_i32 = arith.constant 0 : i32
    %c0_i32_0 = arith.constant 0 : i32
    %c0_i32_1 = arith.constant 0 : i32
    return %arg0, %c0_i32, %c0_i32_0 : i32, i32, i32
  }
}

module attributes {stable_mosaic.version = 14 : i64} {
  func.func @_topk_body(%arg0: memref<8x12500xf32, #tpu.memory_space<vmem>>, %arg1: memref<8x12500xi32, #tpu.memory_space<vmem>>, %arg2: memref<5xi32, #tpu.memory_space<smem>>) attributes {dimension_semantics = [], scalar_prefetch = 0 : i64, scratch_operands = 0 : i64, tpu.core_type = #tpu.core_type<tc>} {
    %get3A = arith.constant 0 : index
    %get3A_0 = arith.constant 0 : index
    %get3A_1 = vector.load %arg0[%get3A, %get3A_0] : memref<8x12500xf32, #tpu.memory_space<vmem>>, vector<8x12500xf32>
    %get3A_2 = arith.constant 0 : index
    %get3A_3 = arith.constant 0 : index
    %get3A_4 = vector.load %arg1[%get3A_2, %get3A_3] : memref<8x12500xi32, #tpu.memory_space<vmem>>, vector<8x12500xi32>
    %iota3A = tpu.iota {dimensions = array<i32: 0>} : vector<8x12500xi32>
    %iota3A_5 = tpu.iota {dimensions = array<i32: 1>} : vector<8x12500xi32>
    %mul3A = arith.constant 12500 : i32
    %mul3A_6 = vector.broadcast %mul3A : i32 to vector<8x12500xi32>
    %mul3A_7 = arith.muli %iota3A, %mul3A_6 : vector<8x12500xi32>
    %add3A = arith.addi %mul3A_7, %iota3A_5 : vector<8x12500xi32>
    %reduce_max3A = vector.shape_cast %get3A_1 : vector<8x12500xf32> to vector<1x8x12500xf32>
    %reduce_max3A_8 = arith.constant dense<0xFF800000> : vector<1xf32>
    %reduce_max3A_9 = vector.multi_reduction <maximumf>, %reduce_max3A, %reduce_max3A_8 [1, 2] : vector<1x8x12500xf32> to vector<1xf32>
    %reduce_max3A_10 = vector.shape_cast %reduce_max3A_9 : vector<1xf32> to vector<1x1x1xf32>
    %reduce_max3A_11 = vector.extract %reduce_max3A_10[0, 0, 0] : f32 from vector<1x1x1xf32>
    %eq3A = vector.broadcast %reduce_max3A_11 : f32 to vector<8x12500xf32>
    %eq3A_12 = arith.cmpf oeq, %get3A_1, %eq3A : vector<8x12500xf32>
    %jit3A = arith.constant 2147483647 : i32
    %broadcast_in_dim3A = vector.broadcast %jit3A : i32 to vector<8x12500xi32>
    %select_n3A = arith.select %eq3A_12, %add3A, %broadcast_in_dim3A : vector<8x12500xi1>, vector<8x12500xi32>
    %reduce_min3A = vector.shape_cast %select_n3A : vector<8x12500xi32> to vector<1x8x12500xi32>
    %reduce_min3A_13 = arith.constant dense<2147483647> : vector<1xi32>
    %reduce_min3A_14 = vector.multi_reduction <minsi>, %reduce_min3A, %reduce_min3A_13 [1, 2] : vector<1x8x12500xi32> to vector<1xi32>
    %reduce_min3A_15 = vector.shape_cast %reduce_min3A_14 : vector<1xi32> to vector<1x1x1xi32>
    %reduce_min3A_16 = vector.extract %reduce_min3A_15[0, 0, 0] : i32 from vector<1x1x1xi32>
    %eq3A_17 = vector.broadcast %reduce_min3A_16 : i32 to vector<8x12500xi32>
    %eq3A_18 = arith.cmpi eq, %add3A, %eq3A_17 : vector<8x12500xi32>
    %jit3A_19 = arith.constant -1 : i32
    %broadcast_in_dim3A_20 = vector.broadcast %jit3A_19 : i32 to vector<8x12500xi32>
    %select_n3A_21 = arith.select %eq3A_18, %get3A_4, %broadcast_in_dim3A_20 : vector<8x12500xi1>, vector<8x12500xi32>
    %reduce_max3A_22 = vector.shape_cast %select_n3A_21 : vector<8x12500xi32> to vector<1x8x12500xi32>
    %reduce_max3A_23 = arith.constant dense<-2147483648> : vector<1xi32>
    %reduce_max3A_24 = vector.multi_reduction <maxsi>, %reduce_max3A_22, %reduce_max3A_23 [1, 2] : vector<1x8x12500xi32> to vector<1xi32>
    %reduce_max3A_25 = vector.shape_cast %reduce_max3A_24 : vector<1xi32> to vector<1x1x1xi32>
    %reduce_max3A_26 = vector.extract %reduce_max3A_25[0, 0, 0] : i32 from vector<1x1x1xi32>
    %swap3A = arith.constant 0 : index
    %swap3A_27 = memref.load %arg2[%swap3A] : memref<5xi32, #tpu.memory_space<smem>>
    memref.store %reduce_max3A_26, %arg2[%swap3A] : memref<5xi32, #tpu.memory_space<smem>>
    %jit3A_28 = arith.constant 0xFF800000 : f32
    %broadcast_in_dim3A_29 = vector.broadcast %jit3A_28 : f32 to vector<8x12500xf32>
    %select_n3A_30 = arith.select %eq3A_18, %broadcast_in_dim3A_29, %get3A_1 : vector<8x12500xi1>, vector<8x12500xf32>
    %reduce_max3A_31 = vector.shape_cast %select_n3A_30 : vector<8x12500xf32> to vector<1x8x12500xf32>
    %reduce_max3A_32 = arith.constant dense<0xFF800000> : vector<1xf32>
    %reduce_max3A_33 = vector.multi_reduction <maximumf>, %reduce_max3A_31, %reduce_max3A_32 [1, 2] : vector<1x8x12500xf32> to vector<1xf32>
    %reduce_max3A_34 = vector.shape_cast %reduce_max3A_33 : vector<1xf32> to vector<1x1x1xf32>
    %reduce_max3A_35 = vector.extract %reduce_max3A_34[0, 0, 0] : f32 from vector<1x1x1xf32>
    %eq3A_36 = vector.broadcast %reduce_max3A_35 : f32 to vector<8x12500xf32>
    %eq3A_37 = arith.cmpf oeq, %select_n3A_30, %eq3A_36 : vector<8x12500xf32>
    %jit3A_38 = arith.constant 2147483647 : i32
    %broadcast_in_dim3A_39 = vector.broadcast %jit3A_38 : i32 to vector<8x12500xi32>
    %select_n3A_40 = arith.select %eq3A_37, %add3A, %broadcast_in_dim3A_39 : vector<8x12500xi1>, vector<8x12500xi32>
    %reduce_min3A_41 = vector.shape_cast %select_n3A_40 : vector<8x12500xi32> to vector<1x8x12500xi32>
    %reduce_min3A_42 = arith.constant dense<2147483647> : vector<1xi32>
    %reduce_min3A_43 = vector.multi_reduction <minsi>, %reduce_min3A_41, %reduce_min3A_42 [1, 2] : vector<1x8x12500xi32> to vector<1xi32>
    %reduce_min3A_44 = vector.shape_cast %reduce_min3A_43 : vector<1xi32> to vector<1x1x1xi32>
    %reduce_min3A_45 = vector.extract %reduce_min3A_44[0, 0, 0] : i32 from vector<1x1x1xi32>
    %eq3A_46 = vector.broadcast %reduce_min3A_45 : i32 to vector<8x12500xi32>
    %eq3A_47 = arith.cmpi eq, %add3A, %eq3A_46 : vector<8x12500xi32>
    %jit3A_48 = arith.constant -1 : i32
    %broadcast_in_dim3A_49 = vector.broadcast %jit3A_48 : i32 to vector<8x12500xi32>
    %select_n3A_50 = arith.select %eq3A_47, %get3A_4, %broadcast_in_dim3A_49 : vector<8x12500xi1>, vector<8x12500xi32>
    %reduce_max3A_51 = vector.shape_cast %select_n3A_50 : vector<8x12500xi32> to vector<1x8x12500xi32>
    %reduce_max3A_52 = arith.constant dense<-2147483648> : vector<1xi32>
    %reduce_max3A_53 = vector.multi_reduction <maxsi>, %reduce_max3A_51, %reduce_max3A_52 [1, 2] : vector<1x8x12500xi32> to vector<1xi32>
    %reduce_max3A_54 = vector.shape_cast %reduce_max3A_53 : vector<1xi32> to vector<1x1x1xi32>
    %reduce_max3A_55 = vector.extract %reduce_max3A_54[0, 0, 0] : i32 from vector<1x1x1xi32>
    %swap3A_56 = arith.constant 1 : index
    %swap3A_57 = memref.load %arg2[%swap3A_56] : memref<5xi32, #tpu.memory_space<smem>>
    memref.store %reduce_max3A_55, %arg2[%swap3A_56] : memref<5xi32, #tpu.memory_space<smem>>
    %jit3A_58 = arith.constant 0xFF800000 : f32
    %broadcast_in_dim3A_59 = vector.broadcast %jit3A_58 : f32 to vector<8x12500xf32>
    %select_n3A_60 = arith.select %eq3A_47, %broadcast_in_dim3A_59, %select_n3A_30 : vector<8x12500xi1>, vector<8x12500xf32>
    %reduce_max3A_61 = vector.shape_cast %select_n3A_60 : vector<8x12500xf32> to vector<1x8x12500xf32>
    %reduce_max3A_62 = arith.constant dense<0xFF800000> : vector<1xf32>
    %reduce_max3A_63 = vector.multi_reduction <maximumf>, %reduce_max3A_61, %reduce_max3A_62 [1, 2] : vector<1x8x12500xf32> to vector<1xf32>
    %reduce_max3A_64 = vector.shape_cast %reduce_max3A_63 : vector<1xf32> to vector<1x1x1xf32>
    %reduce_max3A_65 = vector.extract %reduce_max3A_64[0, 0, 0] : f32 from vector<1x1x1xf32>
    %eq3A_66 = vector.broadcast %reduce_max3A_65 : f32 to vector<8x12500xf32>
    %eq3A_67 = arith.cmpf oeq, %select_n3A_60, %eq3A_66 : vector<8x12500xf32>
    %jit3A_68 = arith.constant 2147483647 : i32
    %broadcast_in_dim3A_69 = vector.broadcast %jit3A_68 : i32 to vector<8x12500xi32>
    %select_n3A_70 = arith.select %eq3A_67, %add3A, %broadcast_in_dim3A_69 : vector<8x12500xi1>, vector<8x12500xi32>
    %reduce_min3A_71 = vector.shape_cast %select_n3A_70 : vector<8x12500xi32> to vector<1x8x12500xi32>
    %reduce_min3A_72 = arith.constant dense<2147483647> : vector<1xi32>
    %reduce_min3A_73 = vector.multi_reduction <minsi>, %reduce_min3A_71, %reduce_min3A_72 [1, 2] : vector<1x8x12500xi32> to vector<1xi32>
    %reduce_min3A_74 = vector.shape_cast %reduce_min3A_73 : vector<1xi32> to vector<1x1x1xi32>
    %reduce_min3A_75 = vector.extract %reduce_min3A_74[0, 0, 0] : i32 from vector<1x1x1xi32>
    %eq3A_76 = vector.broadcast %reduce_min3A_75 : i32 to vector<8x12500xi32>
    %eq3A_77 = arith.cmpi eq, %add3A, %eq3A_76 : vector<8x12500xi32>
    %jit3A_78 = arith.constant -1 : i32
    %broadcast_in_dim3A_79 = vector.broadcast %jit3A_78 : i32 to vector<8x12500xi32>
    %select_n3A_80 = arith.select %eq3A_77, %get3A_4, %broadcast_in_dim3A_79 : vector<8x12500xi1>, vector<8x12500xi32>
    %reduce_max3A_81 = vector.shape_cast %select_n3A_80 : vector<8x12500xi32> to vector<1x8x12500xi32>
    %reduce_max3A_82 = arith.constant dense<-2147483648> : vector<1xi32>
    %reduce_max3A_83 = vector.multi_reduction <maxsi>, %reduce_max3A_81, %reduce_max3A_82 [1, 2] : vector<1x8x12500xi32> to vector<1xi32>
    %reduce_max3A_84 = vector.shape_cast %reduce_max3A_83 : vector<1xi32> to vector<1x1x1xi32>
    %reduce_max3A_85 = vector.extract %reduce_max3A_84[0, 0, 0] : i32 from vector<1x1x1xi32>
    %swap3A_86 = arith.constant 2 : index
    %swap3A_87 = memref.load %arg2[%swap3A_86] : memref<5xi32, #tpu.memory_space<smem>>
    memref.store %reduce_max3A_85, %arg2[%swap3A_86] : memref<5xi32, #tpu.memory_space<smem>>
    %jit3A_88 = arith.constant 0xFF800000 : f32
    %broadcast_in_dim3A_89 = vector.broadcast %jit3A_88 : f32 to vector<8x12500xf32>
    %select_n3A_90 = arith.select %eq3A_77, %broadcast_in_dim3A_89, %select_n3A_60 : vector<8x12500xi1>, vector<8x12500xf32>
    %reduce_max3A_91 = vector.shape_cast %select_n3A_90 : vector<8x12500xf32> to vector<1x8x12500xf32>
    %reduce_max3A_92 = arith.constant dense<0xFF800000> : vector<1xf32>
    %reduce_max3A_93 = vector.multi_reduction <maximumf>, %reduce_max3A_91, %reduce_max3A_92 [1, 2] : vector<1x8x12500xf32> to vector<1xf32>
    %reduce_max3A_94 = vector.shape_cast %reduce_max3A_93 : vector<1xf32> to vector<1x1x1xf32>
    %reduce_max3A_95 = vector.extract %reduce_max3A_94[0, 0, 0] : f32 from vector<1x1x1xf32>
    %eq3A_96 = vector.broadcast %reduce_max3A_95 : f32 to vector<8x12500xf32>
    %eq3A_97 = arith.cmpf oeq, %select_n3A_90, %eq3A_96 : vector<8x12500xf32>
    %jit3A_98 = arith.constant 2147483647 : i32
    %broadcast_in_dim3A_99 = vector.broadcast %jit3A_98 : i32 to vector<8x12500xi32>
    %select_n3A_100 = arith.select %eq3A_97, %add3A, %broadcast_in_dim3A_99 : vector<8x12500xi1>, vector<8x12500xi32>
    %reduce_min3A_101 = vector.shape_cast %select_n3A_100 : vector<8x12500xi32> to vector<1x8x12500xi32>
    %reduce_min3A_102 = arith.constant dense<2147483647> : vector<1xi32>
    %reduce_min3A_103 = vector.multi_reduction <minsi>, %reduce_min3A_101, %reduce_min3A_102 [1, 2] : vector<1x8x12500xi32> to vector<1xi32>
    %reduce_min3A_104 = vector.shape_cast %reduce_min3A_103 : vector<1xi32> to vector<1x1x1xi32>
    %reduce_min3A_105 = vector.extract %reduce_min3A_104[0, 0, 0] : i32 from vector<1x1x1xi32>
    %eq3A_106 = vector.broadcast %reduce_min3A_105 : i32 to vector<8x12500xi32>
    %eq3A_107 = arith.cmpi eq, %add3A, %eq3A_106 : vector<8x12500xi32>
    %jit3A_108 = arith.constant -1 : i32
    %broadcast_in_dim3A_109 = vector.broadcast %jit3A_108 : i32 to vector<8x12500xi32>
    %select_n3A_110 = arith.select %eq3A_107, %get3A_4, %broadcast_in_dim3A_109 : vector<8x12500xi1>, vector<8x12500xi32>
    %reduce_max3A_111 = vector.shape_cast %select_n3A_110 : vector<8x12500xi32> to vector<1x8x12500xi32>
    %reduce_max3A_112 = arith.constant dense<-2147483648> : vector<1xi32>
    %reduce_max3A_113 = vector.multi_reduction <maxsi>, %reduce_max3A_111, %reduce_max3A_112 [1, 2] : vector<1x8x12500xi32> to vector<1xi32>
    %reduce_max3A_114 = vector.shape_cast %reduce_max3A_113 : vector<1xi32> to vector<1x1x1xi32>
    %reduce_max3A_115 = vector.extract %reduce_max3A_114[0, 0, 0] : i32 from vector<1x1x1xi32>
    %swap3A_116 = arith.constant 3 : index
    %swap3A_117 = memref.load %arg2[%swap3A_116] : memref<5xi32, #tpu.memory_space<smem>>
    memref.store %reduce_max3A_115, %arg2[%swap3A_116] : memref<5xi32, #tpu.memory_space<smem>>
    %jit3A_118 = arith.constant 0xFF800000 : f32
    %broadcast_in_dim3A_119 = vector.broadcast %jit3A_118 : f32 to vector<8x12500xf32>
    %select_n3A_120 = arith.select %eq3A_107, %broadcast_in_dim3A_119, %select_n3A_90 : vector<8x12500xi1>, vector<8x12500xf32>
    %reduce_max3A_121 = vector.shape_cast %select_n3A_120 : vector<8x12500xf32> to vector<1x8x12500xf32>
    %reduce_max3A_122 = arith.constant dense<0xFF800000> : vector<1xf32>
    %reduce_max3A_123 = vector.multi_reduction <maximumf>, %reduce_max3A_121, %reduce_max3A_122 [1, 2] : vector<1x8x12500xf32> to vector<1xf32>
    %reduce_max3A_124 = vector.shape_cast %reduce_max3A_123 : vector<1xf32> to vector<1x1x1xf32>
    %reduce_max3A_125 = vector.extract %reduce_max3A_124[0, 0, 0] : f32 from vector<1x1x1xf32>
    %eq3A_126 = vector.broadcast %reduce_max3A_125 : f32 to vector<8x12500xf32>
    %eq3A_127 = arith.cmpf oeq, %select_n3A_120, %eq3A_126 : vector<8x12500xf32>
    %jit3A_128 = arith.constant 2147483647 : i32
    %broadcast_in_dim3A_129 = vector.broadcast %jit3A_128 : i32 to vector<8x12500xi32>
    %select_n3A_130 = arith.select %eq3A_127, %add3A, %broadcast_in_dim3A_129 : vector<8x12500xi1>, vector<8x12500xi32>
    %reduce_min3A_131 = vector.shape_cast %select_n3A_130 : vector<8x12500xi32> to vector<1x8x12500xi32>
    %reduce_min3A_132 = arith.constant dense<2147483647> : vector<1xi32>
    %reduce_min3A_133 = vector.multi_reduction <minsi>, %reduce_min3A_131, %reduce_min3A_132 [1, 2] : vector<1x8x12500xi32> to vector<1xi32>
    %reduce_min3A_134 = vector.shape_cast %reduce_min3A_133 : vector<1xi32> to vector<1x1x1xi32>
    %reduce_min3A_135 = vector.extract %reduce_min3A_134[0, 0, 0] : i32 from vector<1x1x1xi32>
    %eq3A_136 = vector.broadcast %reduce_min3A_135 : i32 to vector<8x12500xi32>
    %eq3A_137 = arith.cmpi eq, %add3A, %eq3A_136 : vector<8x12500xi32>
    %jit3A_138 = arith.constant -1 : i32
    %broadcast_in_dim3A_139 = vector.broadcast %jit3A_138 : i32 to vector<8x12500xi32>
    %select_n3A_140 = arith.select %eq3A_137, %get3A_4, %broadcast_in_dim3A_139 : vector<8x12500xi1>, vector<8x12500xi32>
    %reduce_max3A_141 = vector.shape_cast %select_n3A_140 : vector<8x12500xi32> to vector<1x8x12500xi32>
    %reduce_max3A_142 = arith.constant dense<-2147483648> : vector<1xi32>
    %reduce_max3A_143 = vector.multi_reduction <maxsi>, %reduce_max3A_141, %reduce_max3A_142 [1, 2] : vector<1x8x12500xi32> to vector<1xi32>
    %reduce_max3A_144 = vector.shape_cast %reduce_max3A_143 : vector<1xi32> to vector<1x1x1xi32>
    %reduce_max3A_145 = vector.extract %reduce_max3A_144[0, 0, 0] : i32 from vector<1x1x1xi32>
    %swap3A_146 = arith.constant 4 : index
    %swap3A_147 = memref.load %arg2[%swap3A_146] : memref<5xi32, #tpu.memory_space<smem>>
    memref.store %reduce_max3A_145, %arg2[%swap3A_146] : memref<5xi32, #tpu.memory_space<smem>>
    return
  }
}

</mosaic_0001>

<sc_bundles>
// kernel: kernel.5.cloned.1.call-start
scs
__scs_entry_jumppad:
0x0: {  	(pc) =	sbr.rel $0x88, $3  }
0x1: {  	(tag) =	ssettag $0x0;
	lr =	simm.s32 $0x1  }
0x2: {  	[smem:$0x3F9D] =	sst lr;
	_ =	strace $0xD0000000  }
0x3: {  	_ = 	snop  }
0x4: {  	_ = 	snop  }
0x5: {  	_ = 	snop  }
0x6: {  	_ = 	snop  }
0x7: {  	_ = 	snop  }
__scs_overlays_trampoline_lowered:
0x8: {  	[smem:$0x3FAC] =	sst s0  }
0x9: {  	[smem:$0x3FAD] =	sst s1  }
0xa: {  	[smem:$0x3FAE] =	sst s2  }
0xb: {  	[smem:$0x3FAF] =	sst s3  }
0xc: {  	[smem:$0x3FB0] =	sst s4  }
0xd: {  	[smem:$0x3FB1] =	sst s5  }
0xe: {  	[smem:$0x3FB2] =	sst s6  }
0xf: {  	[smem:$0x3FB3] =	sst s7  }
0x10: {  	[smem:$0x3FB4] =	sst s8  }
0x11: {  	[smem:$0x3FB5] =	sst s9;
	s0 =	simm.s32 @!p0 $0x0  }
0x12: {  	s1 =	sld [smem:$0x3F9B];
	s0 =	simm.s32 @p0 $0x1  }
0x13: {  	[smem:$0x3FB6] =	sst s0;
	s0 =	simm.s32 @!p1 $0x0  }
0x14: {  	s2 =	sld [smem:$0x3F9A];
	s0 =	simm.s32 @p1 $0x1  }
0x15: {  	[smem:$0x3FB7] =	sst s0;
	s0 =	simm.s32 @!p2 $0x0  }
0x16: {  	s3 =	sld [smem:$0x3FDB];
	s0 =	simm.s32 @p2 $0x1  }
0x17: {  	s4 =	simm.s32 $0x1BF5;
	[smem:$0x3FB9] =	sst s0  }
0x18: {  	s0 =	sld [smem:$0x3F9C];
	_ =	swait.ge [sflag:s4], $0x0  }
0x19: {  	s7 =	sld [smem:$0x3F9D]  }
0x1a: {  	s8 =	sadd.s32 $0xFFFFE003, lr  }
0x1b: {  	s9 =	sadd.s32 $0xFFFFFEF7, lr;
	s5 =	simm.s32 $0xFFFFFFFF;
	p2 =	slt.u32 s8, $0xFFFFF086  }
0x1c: {  	p1 =	slt.u32 s9, $0xF7A;
	s5 =	simm.s32 @!p2 $0x0  }
0x1d: {  	s5 =	simm.s32 @p1 $0x1;
	p0 =	seq.s32 s7, s2  }
0x1e: {  	s7 =	smul.u32 @!p0 $0xF7A, s2;
	p2 =	seq.s32 @!p0 s5, $0x0  }
0x1f: {  	s9 =	smul.u32 $0xF7A, s1;
	s8 =	simm.s32 @!p0 $0x1BF5;
	p2 =	por !p2, p0  }
0x20: {  	[sflag:s8] =	ssyncset.s32 @!p0 $0xFFFFF086;
	s6 =	sadd.s32 @!p0 s3, s7;
	s7 =	simm.s32 @!p0 $0x108  }
0x21: {  	s3 =	sadd.s32 s3, s9;
	s6 =	sadd.s32 @!p0 $0x88, s6;
	s7 =	simm.s32 @p2 $0x1082  }
0x22: {  	[simem:s7], [sflag:s8] =	dma.local @!p0 [hbm:s6], $0xF7A  }
0x23: {  	s9 =	sor.u32 $0xD0000000, s2;
	s6 =	simm.s32 $0x108;
	_ =	swait.ge @!p0 [sflag:s8], $0x0  }
0x24: {  	s3 =	sadd.s32 $0x88, s3;
	s6 =	simm.s32 @!p1 $0x1082;
	[sflag:s4] =	ssyncset.s32 $0xFFFFF086  }
0x25: {  	[simem:s6], [sflag:s4] =	dma.local [hbm:s3], $0xF7A  }
0x26: {  	[smem:$0x3F9D] =	sst s1;
	(tag) =	ssettag s2;
	_ =	strace s9  }
0x27: {  	s1 =	sld [smem:$0x3FAD]  }
0x28: {  	s2 =	sld [smem:$0x3FAE]  }
0x29: {  	s4 =	sld [smem:$0x3FB0]  }
0x2a: {  	p0 =	seq.s32 s5, $0x0;
	s5 =	sld [smem:$0x3FB1]  }
0x2b: {  	s6 =	sld [smem:$0x3FB2]  }
0x2c: {  	s7 =	sld [smem:$0x3FB3]  }
0x2d: {  	s3 =	simm.s32 $0x108;
	s8 =	sld [smem:$0x3FB4]  }
0x2e: {  	s3 =	simm.s32 @!p0 $0x1082;
	s9 =	sld [smem:$0x3FB5]  }
0x2f: {  	lr =	sadd.s32 s0, s3;
	s0 =	sld [smem:$0x3FAC]  }
0x30: {  	s3 =	sld [smem:$0x3FAF]  }
0x31: {  	[smem:$0x3FB8] =	sst s10  }
0x32: {  	s10 =	sld [smem:$0x3FB6];
	_ =	sdelay $0x3  }
0x33: {  	p0 =	seq.s32 s10, $0x1;
	s10 =	sld [smem:$0x3FB8];
	_ =	sdelay $0x3  }
0x34: {  	[smem:$0x3FB8] =	sst s10  }
0x35: {  	s10 =	sld [smem:$0x3FB7];
	_ =	sdelay $0x3  }
0x36: {  	p1 =	seq.s32 s10, $0x1;
	s10 =	sld [smem:$0x3FB8];
	_ =	sdelay $0x3  }
0x37: {  	[smem:$0x3FB8] =	sst s10  }
0x38: {  	s10 =	sld [smem:$0x3FB9]  }
0x39: {  	_ = 	snop;
	(pc) =	sbr.ind lr, $3  }
0x3a: {  	_ = 	snop  }
0x3b: {  	_ = 	snop  }
0x3c: {  	p2 =	seq.s32 s10, $0x1;
	s10 =	sld [smem:$0x3FB8]  }
0x3d: {  	_ =	shalt  }
0x3e: {  	_ =	shalt  }
0x3f: {  	_ =	shalt  }
0x40: {  	_ =	shalt  }
0x41: {  	_ =	shalt  }
0x42: {  	_ =	shalt  }
0x43: {  	_ =	shalt  }
0x44: {  	_ =	shalt  }
0x45: {  	_ =	shalt  }
0x46: {  	_ =	shalt  }
0x47: {  	_ =	shalt  }
0x48: {  	_ =	shalt  }
0x49: {  	_ =	shalt  }
0x4a: {  	_ =	shalt  }
0x4b: {  	_ =	shalt  }
0x4c: {  	_ =	shalt  }
0x4d: {  	_ =	shalt  }
0x4e: {  	_ =	shalt  }
0x4f: {  	_ =	shalt  }
0x50: {  	_ =	shalt  }
0x51: {  	_ =	shalt  }
0x52: {  	_ =	shalt  }
0x53: {  	_ =	shalt  }
0x54: {  	_ =	shalt  }
0x55: {  	_ =	shalt  }
0x56: {  	_ =	shalt  }
0x57: {  	_ =	shalt  }
0x58: {  	_ =	shalt  }
0x59: {  	_ =	shalt  }
0x5a: {  	_ =	shalt  }
0x5b: {  	_ =	shalt  }
0x5c: {  	_ =	shalt  }
0x5d: {  	_ =	shalt  }
0x5e: {  	_ =	shalt  }
0x5f: {  	_ =	shalt  }
0x60: {  	_ =	shalt  }
0x61: {  	_ =	shalt  }
0x62: {  	_ =	shalt  }
0x63: {  	_ =	shalt  }
0x64: {  	_ =	shalt  }
0x65: {  	_ =	shalt  }
0x66: {  	_ =	shalt  }
0x67: {  	_ =	shalt  }
0x68: {  	_ =	shalt  }
0x69: {  	_ =	shalt  }
0x6a: {  	_ =	shalt  }
0x6b: {  	_ =	shalt  }
0x6c: {  	_ =	shalt  }
0x6d: {  	_ =	shalt  }
0x6e: {  	_ =	shalt  }
0x6f: {  	_ =	shalt  }
0x70: {  	_ =	shalt  }
0x71: {  	_ =	shalt  }
0x72: {  	_ =	shalt  }
0x73: {  	_ =	shalt  }
0x74: {  	_ =	shalt  }
0x75: {  	_ =	shalt  }
0x76: {  	_ =	shalt  }
0x77: {  	_ =	shalt  }
0x78: {  	_ =	shalt  }
0x79: {  	_ =	shalt  }
0x7a: {  	_ =	shalt  }
0x7b: {  	_ =	shalt  }
0x7c: {  	_ =	shalt  }
0x7d: {  	_ =	shalt  }
0x7e: {  	_ =	shalt  }
0x7f: {  	_ =	shalt  }
0x80: {  	_ =	shalt  }
0x81: {  	_ =	shalt  }
0x82: {  	_ =	shalt  }
0x83: {  	_ =	shalt  }
0x84: {  	_ =	shalt  }
0x85: {  	_ =	shalt  }
0x86: {  	_ =	shalt  }
0x87: {  	_ =	shalt  }
.Lfunc_end0:
.L_simem_size_0:
called_computation_lowered:
.L_overlay_start_0:
0x88: {  	s2 =	sld [smem:$0x3FD9]  }
0x89: {  	s3 =	sld [smem:$0x3FFE];
	_ =	sdelay $0x1  }
0x8a: {  	s1 =	srdreg.scid  }
0x8b: {  	s0 =	sand.u32 $0x1, s1  }
0x8c: {  	s14 =	sshll.u32 s0, $0xA;
	s2 =	sadd.s32 s3, s2  }
0x8d: {  	s2 =	sadd.s32 s2, s14  }
0x8e: {  	[smem:$0x3FC4] =	sst s2  }
0x8f: {  	_ = 	snop  }
0x90: {  	s2 =	sld [smem:$0x3FD0];
	_ =	sdelay $0x1  }
0x91: {  	s15 =	sld [smem:$0x3FC9]  }
0x92: {  	s5 =	simm.s32 $0xA;
	s6 =	simm.s32 $0x10;
	s4 =	sld [smem:$0x3FC7]  }
0x93: {  	[smem:s6], [sflag:s5] =	dma.local [hbm:s2], $0x1  }
0x94: {  	_ =	swait.eq [sflag:s5], $0x1  }
0x95: {  	[sflag:s5] =	ssyncset.done $0x0  }
0x96: {  	[sflag:s5] =	ssyncadd.s32 $0xFFFFFFFF  }
0x97: {  	s16 =	sld [smem:$0x11];
	(tm) =	ssettm $0x1  }
0x98: {  	s17 =	sld [smem:$0x3FFB];
	_ =	sdelay $0x3  }
0x99: {  	_ =	strace s17  }
0x9a: {  	s5 =	sld [smem:$0x3FFC];
	_ =	sdelay $0x3  }
0x9b: {  	_ =	strace s5  }
0x9c: {  	s5 =	sld [smem:$0x3FFD];
	_ =	sdelay $0x3  }
0x9d: {  	_ =	strace s5  }
0x9e: {  	_ =	strace $0x8FFFFFFF  }
0x9f: {  	s18 =	sld [smem:$0x3FDB];
	_ =	sdelay $0x1  }
0xa0: {  	s19 =	simm.s32 $_scs_section_size  }
0xa1: {  	s7 =	simm.s32 $_size__tile_overlayer_lowered;
	s8 =	simm.s32 $_tile_overlayer_lowered  }
0xa2: {  	s22 =	simm.s32 $0x1BFF;
	s21 =	sshll.u32 s8, $0x1;
	s5 =	sadd.s32 s19, s18  }
0xa3: {  	s9 =	simm.s32 $0x0;
	s20 =	sshll.u32 s7, $0x1;
	s7 =	sadd.s32 s21, s5  }
0xa4: {  	[timem:s9], [sflag:s22] =	dma.local [hbm:s7], s20  }
0xa5: {  	_ =	swait.ge [sflag:s22], s20  }
0xa6: {  	s6 =	ssub.s32 $0x0, s20;
	[sflag:s22] =	ssyncset.done $0x0  }
0xa7: {  	[sflag:s22] =	ssyncadd.s32 s6;
	_ =	sdelay $0x1  }
0xa8: {  	s23 =	simm.s32 $0x1B8B  }
0xa9: {  	_ =	swait.ge [sflag:s23], $0x1  }
0xaa: {  	[sflag:s23] =	ssyncset.done $0x0  }
0xab: {  	s25 =	simm.s32 $0x1B8E;
	s24 =	sld [smem:$0x3FFE];
	[sflag:s23] =	ssyncadd.s32 $0xFFFFFFFF  }
0xac: {  	s26 =	simm.s32 $execute0_lowered;
	[smem:$0x3FD2] =	sst s25  }
0xad: {  	s7 =	sshll.u32 s26, $0x1;
	_ =	strace $0x80000046;
	[dreg:$0x1] =	wrdreg $0xFFFFFFFF  }
0xae: {  	s28 =	simm.s32 $_size_execute0_lowered;
	s5 =	sadd.s32 s5, s7;
	[dreg:$0x0] =	wrdreg $0x0  }
0xaf: {  	s7 =	sshll.u32 s28, $0x1;
	[dreg:$0x2] =	wrdreg s5  }
0xb0: {  	[dreg:$0x3] =	wrdreg s7  }
0xb1: {  	[dreg:$0x4] =	wrdreg $0xC0  }
0xb2: {  	_ =	task [dreg:s9], $0x5FFFF  }
0xb3: {  	[dreg:$0x1] =	wrdreg $0xFFFFFFFF  }
0xb4: {  	[dreg:$0x0] =	wrdreg $0x60  }
0xb5: {  	[dreg:$0x2] =	wrdreg s24  }
0xb6: {  	[dreg:$0x3] =	wrdreg s4  }
0xb7: {  	[dreg:$0x4] =	wrdreg s15  }
0xb8: {  	[dreg:$0x5] =	wrdreg s16  }
0xb9: {  	[dreg:$0x6] =	wrdreg $0x9  }
0xba: {  	_ =	task.clear_ibuf [dreg:s9], $0x7FFFF;
	_ =	strace $0x90000046  }
0xbb: {  	s29 =	simm.s32 $0x9;
	_ =	strace $0x80000048  }
0xbc: {  	_ =	swait.ge [sflag:s29], $0x1  }
0xbd: {  	[sflag:s29] =	ssyncadd.s32 $0xFFFFFFFF  }
0xbe: {  	_ =	strace $0x90000048  }
0xbf: {  	_ =	sfence  }
0xc0: {  	s30 =	sld [smem:$0x0];
	_ =	sdelay $0x2  }
0xc1: {  	s31 =	sshll.u32 s1, $0xD;
	s1 =	sshrl.u32 s1, $0x2  }
0xc2: {  	s3 =	sand.u32 $0x4000, s31;
	s1 =	sadd.s32 s1, s30  }
0xc3: {  	s0 =	sor.u32 s3, s0;
	s1 =	sshll.u32 s1, $0x11  }
0xc4: {  	s0 =	sor.u32 s1, s0  }
0xc5: {  	s0 =	sadd.s32 $0x8F2B, s0  }
0xc6: {  	[sflag:s0] =	ssyncadd.remote.s32 $0x1  }
0xc7: {  	_ =	sfence.sel $0xFFFF  }
0xc8: {  	[dreg:$0x0] =	wrdreg $0xFFFFFFFF;
	(pc) =	sbr.abs _section_cstart, $3  }
0xc9: {  	[dreg:$0x1] =	wrdreg $0xFFFFFFFF  }
0xca: {  	_ =	task.clear_ibuf [dreg:s9], $0x2FFFF;
	_ =	strace $0x9FFFFFFF  }
0xcb: {  	(tm) =	ssettm $0x7FFFFFFF  }
tec
execute0_lowered:
.L_overlay_start_1:
0x0: {  	(tag) =	ssettag $0x1  }
0x1: {  	s3 =	rddreg [dreg:$0x0]  }
0x2: {  	s4 =	rddreg [dreg:$0x1]  }
0x3: {  	s1 =	srdreg.scid;
	s6 =	rddreg [dreg:$0x2]  }
0x4: {  	s0 =	stileid.u32;
	s7 =	rddreg [dreg:$0x3]  }
0x5: {  	s2 =	simm.s32 $0x0;
	s5 =	sand.u32 $0x1, s1;
	s31 =	sshll.u32 s0, $0x1  }
0x6: {  	s10 =	simm.s32 $0xC80;
	s11 =	simm.s32 $0x1900;
	s1 =	sor.u32 s5, s31  }
0x7: {  	s12 =	simm.s32 $0x1;
	s13 =	simm.s32 $0x0;
	s8 =	smul.u32 $0xC40, s1  }
0x8: {  	[smem:$0x7FF] =	sst s2;
	s3 =	sadd.s32 $0xA00, s3;
	s5 =	ssub.s32 $0x2, s5  }
0x9: {  	s1 =	rddreg [dreg:$0x4];
	s9 =	sshrl.u32 s5, $0x1;
	s8 =	smin.u32 s8, $0x17A60  }
0xa: {  	_ =	strace $0x80000047;
	s9 =	ssub.s32 s5, s9;
	s8 =	sshrl.u32 s8, $0x3  }
0xb: {  	s4 =	sadd.s32 s4, s8;
	s5 =	sadd.s32 s6, s8;
	s6 =	sadd.s32 s7, s8  }
0xc: {  	s7 =	smax.u32 s9, $0x1;
	s8 =	simm.s32 $0x2;
	s9 =	simm.s32 $0xC40  }
.LBB2_1:
0xd: {  	[tilespmem:s2], [sflag:$0x2] =	stream.linear.gather [hbm4b:s4+s2], $0xC40, $0x38;
	[tilespmem:$0x2580] =	vst v63  }
0xe: {  	_ =	swait.ge [sflag:s8], $0xC40  }
0xf: {  	[sflag:s8] =	ssyncset.done $0x0  }
0x10: {  	[sflag:s8] =	ssyncadd.s32 $0xFFFFF3C0  }
0x11: {  	[tilespmem:s10], [sflag:$0x1] =	stream.indirect.gather [hbm4b:s3+s9], $0x1, s2, s9, $0xb8;
	[tilespmem:$0x2580] =	vst v63  }
0x12: {  	_ = 	snop  }
0x13: {  	[tilespmem:s11], [sflag:$0x2] =	stream.linear.gather [hbm4b:s5+s2], $0xC40, $0x38;
	[tilespmem:$0x2580] =	vst v63  }
0x14: {  	_ =	swait.ge [sflag:s8], $0xC40  }
0x15: {  	[sflag:s8] =	ssyncset.done $0x0  }
0x16: {  	[sflag:s8] =	ssyncadd.s32 $0xFFFFF3C0  }
0x17: {  	_ =	swait.ge [sflag:s12], $0xC40  }
0x18: {  	[sflag:s12] =	ssyncset.done $0x0  }
0x19: {  	s14 =	simm.s32 $0x1920;
	[sflag:s12] =	ssyncadd.s32 $0xFFFFF3C0  }
0x1a: {  	s15 =	simm.s32 $0xCA0;
	v0 =	vld [tilespmem:s14+$0xFFFFFFE0]  }
0x1b: {  	v1 =	vld [tilespmem:s15+$0xFFFFFFE0];
	_ =	sdelay $0x4  }
0x1c: {  	v0 =	vadd.f32 v1, v0;
	_ =	sdelay $0x1  }
0x1d: {  	[tilespmem:s14+$0xFFFFFFE0] =	vst v0;
	v0 =	vld [tilespmem:s14+$0xFFFFFFF0]  }
0x1e: {  	v1 =	vld [tilespmem:s15+$0xFFFFFFF0];
	_ =	sdelay $0x4  }
0x1f: {  	v0 =	vadd.f32 v1, v0;
	_ =	sdelay $0x1  }
0x20: {  	[tilespmem:s14+$0xFFFFFFF0] =	vst v0;
	v0 =	vld [tilespmem:s14+$0x0]  }
0x21: {  	v1 =	vld [tilespmem:s15+$0x0];
	_ =	sdelay $0x4  }
0x22: {  	v0 =	vadd.f32 v1, v0;
	_ =	sdelay $0x1  }
0x23: {  	[tilespmem:s14+$0x0] =	vst v0;
	v0 =	vld [tilespmem:s14+$0x10]  }
0x24: {  	v1 =	vld [tilespmem:s15+$0x10];
	_ =	sdelay $0x4  }
0x25: {  	v0 =	vadd.f32 v1, v0  }
0x26: {  	s16 =	simm.s32 $0x0;
	s17 =	simm.s32 $0x1960  }
.LBB2_2:
0x27: {  	v1 =	vld [tilespmem:s17+$0xFFFFFFE0];
	[tilespmem:s14+$0x10] =	vst v0;
	s15 =	sadd.s32 $0x40, s15;
	s14 =	smov.u32 s17  }
0x28: {  	s16 =	sadd.s32 $0x4, s16;
	v0 =	vld [tilespmem:s15+$0xFFFFFFE0]  }
0x29: {  	p0 =	slt.u32 s16, $0xC0;
	_ =	sdelay $0x3  }
0x2a: {  	v0 =	vadd.f32 v0, v1;
	_ =	sdelay $0x1  }
0x2b: {  	[tilespmem:s17+$0xFFFFFFE0] =	vst v0;
	v0 =	vld [tilespmem:s17+$0xFFFFFFF0]  }
0x2c: {  	v1 =	vld [tilespmem:s15+$0xFFFFFFF0];
	_ =	sdelay $0x4  }
0x2d: {  	v0 =	vadd.f32 v1, v0;
	_ =	sdelay $0x1  }
0x2e: {  	[tilespmem:s17+$0xFFFFFFF0] =	vst v0;
	v0 =	vld [tilespmem:s17+$0x0]  }
0x2f: {  	v1 =	vld [tilespmem:s15+$0x0];
	_ =	sdelay $0x4  }
0x30: {  	v0 =	vadd.f32 v1, v0;
	_ =	sdelay $0x1  }
0x31: {  	[tilespmem:s17+$0x0] =	vst v0;
	v0 =	vld [tilespmem:s17+$0x10]  }
0x32: {  	v1 =	vld [tilespmem:s15+$0x10];
	_ =	sdelay $0x1  }
.Ltmp0:
0x33: {  	(pc) =	sbr.rel @p0 .LBB2_2-.Ltmp0, $3  }
0x34: {  	_ =	sdelay $0x1  }
0x35: {  	v0 =	vadd.f32 v1, v0  }
0x36: {  	s17 =	sadd.s32 $0x40, s17  }
0x37: {  	s13 =	sadd.s32 $0x1, s13  }
0x38: {  	p0 =	sne.s32 s13, s7  }
.Ltmp1:
0x39: {  	[tilespmem:s14+$0x10] =	vst v0;
	(pc) =	sbr.rel @p0 .LBB2_1-.Ltmp1, $4  }
0x3a: {  	[hbm4b:s6+s2] =	stream.linear.scatter [tilespmem:s11], [sflag:$0x2], $0xC40, $0x38;
	[tilespmem:$0x2580] =	vst v63  }
0x3b: {  	_ =	swait.ge [sflag:s8], $0xC40  }
0x3c: {  	[sflag:s8] =	ssyncset.done $0x0  }
0x3d: {  	[sflag:s8] =	ssyncadd.s32 $0xFFFFF3C0  }
0x3e: {  	_ =	sfence.sel $0x180000  }
0x3f: {  	[bflag:$0x0] =	sbarrier.arrive $0xFFFF  }
0x40: {  	p0 =	sne.s32 s0, $0x0;
	_ =	strace $0x90000047  }
0x41: {  	s0 =	sadd.s32 @!p0 $0x100000, s1;
	[bflag:$0x2] =	sbarrier.arrive $0xFFFF  }
0x42: {  	[sflag:s0] =	ssyncadd.tile.s32 @!p0 $0x1;
	_ =	shalt  }
.Lfunc_end2:
_tile_overlayer_lowered:
.L_overlay_start_2:
0x43: {  	(tag) =	ssettag $0x2  }
0x44: {  	s0 =	rddreg [dreg:$0x0];
	s2 =	stileid.u32  }
0x45: {  	s1 =	rddreg [dreg:$0x1];
	p0 =	sne.s32 s2, $0x0  }
0x46: {  	s3 =	rddreg [dreg:$0x2];
	[bflag:$0x3] =	sbarrier.arrive $0xFFFF;
	s2 =	simm.s32 @!p0 $0x1C02  }
0x47: {  	[timem:s3], [sflag:s2] =	dma.local @!p0 [hbm:s0], s1  }
0x48: {  	s0 =	simm.s32 @!p0 $0x2  }
0x49: {  	_ =	swait.ge @!p0 [sflag:s0], s1  }
0x4a: {  	s1 =	ssub.s32 @!p0 $0x0, s1;
	[sflag:s0] =	ssyncset.done @!p0 $0x0  }
0x4b: {  	[sflag:s0] =	ssyncadd.s32 @!p0 s1  }
0x4c: {  	[bflag:$0x3] =	sbarrier.arrive $0xFFFF  }
0x4d: {  	_ =	shalt  }

</sc_bundles>
